<compile_context>
chip_gen: v7x
topology: tpu7x:2x2x1
jax: 0.10.2.dev20260603
libtpu: 0.0.44.dev20260713+nightly
codegen_flags: <defaults>
</compile_context>

<pallas_src>
import math

import jax
import jax.numpy as jnp
from jax.experimental import pallas as pl

_SCORE_THRESH = 0.05
_NMS_THRESH = 0.5
_DETS_PER_IMG = 100
_M_CAND = 500
_IMG_H = 800.0
_IMG_W = 1333.0
_CLIP = math.log(1000.0 / 16.0)


def _dense_body(logits_ref, reg_ref, prop_ref,
                probs_ref, x1_ref, y1_ref, x2_ref, y2_ref):
    lg = logits_ref[...]
    m = jnp.max(lg, axis=1, keepdims=True)
    e = jnp.exp(lg - m)
    probs_ref[...] = e / jnp.sum(e, axis=1, keepdims=True)

    p = prop_ref[...]
    w = p[:, 2:3] - p[:, 0:1] + 1.0
    h = p[:, 3:4] - p[:, 1:2] + 1.0
    cx = p[:, 0:1] + 0.5 * w
    cy = p[:, 1:2] + 0.5 * h

    dx = reg_ref[0] / 10.0
    dy = reg_ref[1] / 10.0
    dw = jnp.minimum(reg_ref[2] / 5.0, _CLIP)
    dh = jnp.minimum(reg_ref[3] / 5.0, _CLIP)

    pcx = dx * w + cx
    pcy = dy * h + cy
    pw = jnp.exp(dw) * w
    ph = jnp.exp(dh) * h

    x1_ref[...] = jnp.clip(pcx - 0.5 * pw, 0.0, _IMG_W - 1.0)
    y1_ref[...] = jnp.clip(pcy - 0.5 * ph, 0.0, _IMG_H - 1.0)
    x2_ref[...] = jnp.clip(pcx + 0.5 * pw - 1.0, 0.0, _IMG_W - 1.0)
    y2_ref[...] = jnp.clip(pcy + 0.5 * ph - 1.0, 0.0, _IMG_H - 1.0)


def _dense_stage(class_logits, reg_planes, proposals, block=2000):
    N, C = class_logits.shape
    grid = (N // block,)
    out = jax.ShapeDtypeStruct((N, C), jnp.float32)
    return pl.pallas_call(
        _dense_body,
        grid=grid,
        in_specs=[
            pl.BlockSpec((block, C), lambda i: (i, 0)),
            pl.BlockSpec((4, block, C), lambda i: (0, i, 0)),
            pl.BlockSpec((block, 4), lambda i: (i, 0)),
        ],
        out_specs=[pl.BlockSpec((block, C), lambda i: (i, 0))] * 5,
        out_shape=[out] * 5,
    )(class_logits, reg_planes, proposals)


def _nms_body(x1_ref, y1_ref, x2_ref, y2_ref, valid_ref, keep_ref):
    x1 = x1_ref[...]
    y1 = y1_ref[...]
    x2 = x2_ref[...]
    y2 = y2_ref[...]
    area = (x2 - x1 + 1.0) * (y2 - y1 + 1.0)
    keep_ref[...] = jnp.zeros_like(x1)

    def body(i, _):
        bx1 = x1_ref[pl.ds(i, 1), :]
        by1 = y1_ref[pl.ds(i, 1), :]
        bx2 = x2_ref[pl.ds(i, 1), :]
        by2 = y2_ref[pl.ds(i, 1), :]
        barea = (bx2 - bx1 + 1.0) * (by2 - by1 + 1.0)
        w = jnp.maximum(jnp.minimum(bx2, x2) - jnp.maximum(bx1, x1) + 1.0, 0.0)
        h = jnp.maximum(jnp.minimum(by2, y2) - jnp.maximum(by1, y1) + 1.0, 0.0)
        inter = w * h
        sup = inter > _NMS_THRESH * (area + barea - inter)
        kp = keep_ref[...]
        hit = jnp.max(jnp.where(sup, kp, 0.0), axis=0, keepdims=True)
        keep_ref[pl.ds(i, 1), :] = valid_ref[pl.ds(i, 1), :] * (1.0 - hit)
        return 0

    jax.lax.fori_loop(0, _M_CAND, body, 0)


def _nms_stage(planes, valid):
    M, CL = valid.shape
    spec = pl.BlockSpec((M, CL), lambda: (0, 0))
    return pl.pallas_call(
        _nms_body,
        in_specs=[pl.BlockSpec((M, CL), lambda: (0, 0))] * 5,
        out_specs=spec,
        out_shape=jax.ShapeDtypeStruct((M, CL), jnp.float32),
    )(planes[0], planes[1], planes[2], planes[3], valid)


def kernel(class_logits, box_regression, proposals):
    N, C = class_logits.shape
    reg_planes = box_regression.reshape(N, C, 4).transpose(2, 0, 1)
    probs, bx1, by1, bx2, by2 = _dense_stage(class_logits, reg_planes, proposals)

    scores_T = probs.T[1:]
    boxes = jnp.stack([bx1, by1, bx2, by2], axis=-1)
    boxes_T = jnp.transpose(boxes, (1, 0, 2))[1:]

    masked = jnp.where(scores_T > _SCORE_THRESH, scores_T, -jnp.inf)
    top_scores, idx = jax.lax.top_k(masked, _M_CAND)
    cand_valid = (top_scores > _SCORE_THRESH).astype(jnp.float32)
    cand_boxes = jnp.take_along_axis(boxes_T, idx[..., None], axis=1)

    planes = cand_boxes.transpose(2, 1, 0)
    keep_f = _nms_stage(planes, cand_valid.T)
    keep = keep_f.T > 0.5

    flat_scores = jnp.where(keep, top_scores, -jnp.inf).reshape(-1)
    flat_boxes = cand_boxes.reshape(-1, 4)
    flat_labels = jnp.broadcast_to(
        jnp.arange(1, C, dtype=jnp.int32)[:, None], (C - 1, _M_CAND)).reshape(-1)
    final_scores, fidx = jax.lax.top_k(flat_scores, _DETS_PER_IMG)
    final_boxes = flat_boxes[fidx]
    final_labels = flat_labels[fidx]
    return final_scores, final_boxes, final_labels

# --- scband reference (transcript-rebuilt; emitter-appended) ---
"""Pipeline reference for scband-post-processor-58025008169394 (READ-ONLY COPY).

The authoritative reference and input builder live on the scoring server;
editing this copy changes nothing except your own understanding.
"""

import jax, jax.numpy as jnp
import numpy as np
import math

SCORE_THRESH = 0.05
NMS_THRESH = 0.5
DETS_PER_IMG = 100
M_CAND = 500  # per-class candidate cap (fixed-size jax-friendly NMS)
IMG_H = 800.0
IMG_W = 1333.0
BBOX_XFORM_CLIP = math.log(1000.0 / 16.0)
WEIGHTS = (10.0, 10.0, 5.0, 5.0)


def setup_inputs(seed: int = 0) -> dict:
    key = jax.random.key(seed)
    k1, k2, k3 = jax.random.split(key, 3)
    N, C = 20000, 81
    class_logits = jax.random.normal(k1, (N, C), dtype=jnp.float32)
    box_regression = jax.random.normal(k2, (N, C * 4), dtype=jnp.float32) * 0.5
    u = jax.random.uniform(k3, (N, 4), dtype=jnp.float32)
    x1 = u[:, 0] * 1100.0
    y1 = u[:, 1] * 600.0
    w = u[:, 2] * 200.0 + 8.0
    h = u[:, 3] * 200.0 + 8.0
    proposals = jnp.stack([x1, y1, x1 + w, y1 + h], axis=1)
    return {"class_logits": class_logits, "box_regression": box_regression, "proposals": proposals}


def _decode(rel_codes, boxes):
    # maskrcnn-benchmark BoxCoder.decode with weights (10,10,5,5)
    wx, wy, ww, wh = WEIGHTS
    widths = boxes[:, 2] - boxes[:, 0] + 1.0
    heights = boxes[:, 3] - boxes[:, 1] + 1.0
    ctr_x = boxes[:, 0] + 0.5 * widths
    ctr_y = boxes[:, 1] + 0.5 * heights
    dx = rel_codes[:, 0::4] / wx
    dy = rel_codes[:, 1::4] / wy
    dw = jnp.minimum(rel_codes[:, 2::4] / ww, BBOX_XFORM_CLIP)
    dh = jnp.minimum(rel_codes[:, 3::4] / wh, BBOX_XFORM_CLIP)
    pred_ctr_x = dx * widths[:, None] + ctr_x[:, None]
    pred_ctr_y = dy * heights[:, None] + ctr_y[:, None]
    pred_w = jnp.exp(dw) * widths[:, None]
    pred_h = jnp.exp(dh) * heights[:, None]
    x1 = pred_ctr_x - 0.5 * pred_w
    y1 = pred_ctr_y - 0.5 * pred_h
    x2 = pred_ctr_x + 0.5 * pred_w - 1.0
    y2 = pred_ctr_y + 0.5 * pred_h - 1.0
    return jnp.stack([x1, y1, x2, y2], axis=2)  # [N, C, 4]


def _clip_boxes(b):
    x1 = jnp.clip(b[..., 0], 0.0, IMG_W - 1.0)
    y1 = jnp.clip(b[..., 1], 0.0, IMG_H - 1.0)
    x2 = jnp.clip(b[..., 2], 0.0, IMG_W - 1.0)
    y2 = jnp.clip(b[..., 3], 0.0, IMG_H - 1.0)
    return jnp.stack([x1, y1, x2, y2], axis=-1)


def _iou_matrix(b):
    area = (b[:, 2] - b[:, 0] + 1.0) * (b[:, 3] - b[:, 1] + 1.0)
    xx1 = jnp.maximum(b[:, None, 0], b[None, :, 0])
    yy1 = jnp.maximum(b[:, None, 1], b[None, :, 1])
    xx2 = jnp.minimum(b[:, None, 2], b[None, :, 2])
    yy2 = jnp.minimum(b[:, None, 3], b[None, :, 3])
    w = jnp.maximum(xx2 - xx1 + 1.0, 0.0)
    h = jnp.maximum(yy2 - yy1 + 1.0, 0.0)
    inter = w * h
    return inter / (area[:, None] + area[None, :] - inter)


def _nms_keep(iou, valid):
    M = iou.shape[0]
    ar = jnp.arange(M)
    def body(keep, i):
        col = iou[:, i]
        sup = jnp.any(keep & (col > NMS_THRESH) & (ar < i))
        keep = keep.at[i].set(valid[i] & jnp.logical_not(sup))
        return keep, None
    keep, _ = jax.lax.scan(body, jnp.zeros((M,), dtype=bool), jnp.arange(M))
    return keep


def _per_class(scores_j, boxes_j):
    masked = jnp.where(scores_j > SCORE_THRESH, scores_j, -jnp.inf)
    top_scores, idx = jax.lax.top_k(masked, M_CAND)  # sorted desc, like NMS score order
    cand_valid = top_scores > SCORE_THRESH
    cand_boxes = boxes_j[idx]
    iou = _iou_matrix(jax.lax.stop_gradient(cand_boxes))
    keep = _nms_keep(iou, cand_valid)
    return top_scores, cand_boxes, keep


def _forward(class_logits, box_regression, proposals):
    N, C = class_logits.shape
    prob = jax.nn.softmax(class_logits, axis=-1)
    decoded = _clip_boxes(_decode(box_regression.reshape(N, -1), proposals))  # [N, C, 4]
    scores_T = prob.T[1:]                       # [C-1, N] (skip background class 0)
    boxes_T = jnp.transpose(decoded, (1, 0, 2))[1:]  # [C-1, N, 4]
    top_scores, cand_boxes, keep = jax.vmap(_per_class)(scores_T, boxes_T)
    flat_scores = jnp.where(keep, top_scores, -jnp.inf).reshape(-1)
    flat_boxes = cand_boxes.reshape(-1, 4)
    flat_labels = jnp.broadcast_to(jnp.arange(1, C, dtype=jnp.int32)[:, None], (C - 1, M_CAND)).reshape(-1)
    final_scores, fidx = jax.lax.top_k(flat_scores, DETS_PER_IMG)  # detections_per_img limit
    final_boxes = flat_boxes[fidx]
    final_labels = flat_labels[fidx]
    return final_scores, final_boxes, final_labels


def reference(class_logits, box_regression, proposals):
    return _forward(class_logits, box_regression, proposals)

if __name__ == "__main__":
    import jax
    _d = setup_inputs()
    print(jax.jit(kernel)(*tuple(_d.values())))

</pallas_src>

<mosaic_0001>
module attributes {stable_mosaic.version = 14 : i64} {
  func.func @_dense_body(%arg0: i32, %arg1: memref<2000x81xf32, #tpu.memory_space<vmem>>, %arg2: memref<4x2000x81xf32, #tpu.memory_space<vmem>>, %arg3: memref<2000x4xf32, #tpu.memory_space<vmem>>, %arg4: memref<2000x81xf32, #tpu.memory_space<vmem>>, %arg5: memref<2000x81xf32, #tpu.memory_space<vmem>>, %arg6: memref<2000x81xf32, #tpu.memory_space<vmem>>, %arg7: memref<2000x81xf32, #tpu.memory_space<vmem>>, %arg8: memref<2000x81xf32, #tpu.memory_space<vmem>>) attributes {dimension_semantics = [#tpu.dimension_semantics<arbitrary>], iteration_bounds = array<i64: 10>, scalar_prefetch = 0 : i64, scratch_operands = 0 : i64, tpu.core_type = #tpu.core_type<tc>, window_params = [{transform_indices = @transform_0, window_bounds = array<i64: 2000, 81>}, {transform_indices = @transform_1, window_bounds = array<i64: 4, 2000, 81>}, {transform_indices = @transform_2, window_bounds = array<i64: 2000, 4>}, {transform_indices = @transform_3, window_bounds = array<i64: 2000, 81>}, {transform_indices = @transform_4, window_bounds = array<i64: 2000, 81>}, {transform_indices = @transform_5, window_bounds = array<i64: 2000, 81>}, {transform_indices = @transform_6, window_bounds = array<i64: 2000, 81>}, {transform_indices = @transform_7, window_bounds = array<i64: 2000, 81>}]} {
    %get3A = arith.constant 0 : index
    %get3A_0 = arith.constant 0 : index
    %get3A_1 = vector.load %arg1[%get3A, %get3A_0] : memref<2000x81xf32, #tpu.memory_space<vmem>>, vector<2000x81xf32>
    %reduce_max3A = arith.constant dense<0xFF800000> : vector<2000xf32>
    %reduce_max3A_2 = vector.multi_reduction <maximumf>, %get3A_1, %reduce_max3A [1] : vector<2000x81xf32> to vector<2000xf32>
    %broadcast_in_dim3A = vector.shape_cast %reduce_max3A_2 : vector<2000xf32> to vector<2000x1xf32>
    %sub3A = vector.broadcast %broadcast_in_dim3A : vector<2000x1xf32> to vector<2000x81xf32>
    %sub3A_3 = arith.subf %get3A_1, %sub3A : vector<2000x81xf32>
    %exp3A = math.exp %sub3A_3 : vector<2000x81xf32>
    %reduce_sum3A = arith.constant dense<0.000000e+00> : vector<2000xf32>
    %reduce_sum3A_4 = vector.multi_reduction <add>, %exp3A, %reduce_sum3A [1] : vector<2000x81xf32> to vector<2000xf32>
    %broadcast_in_dim3A_5 = vector.shape_cast %reduce_sum3A_4 : vector<2000xf32> to vector<2000x1xf32>
    %div3A = vector.broadcast %broadcast_in_dim3A_5 : vector<2000x1xf32> to vector<2000x81xf32>
    %div3A_6 = arith.divf %exp3A, %div3A : vector<2000x81xf32>
    %swap3A = arith.constant 0 : index
    %swap3A_7 = arith.constant 0 : index
    %swap3A_8 = vector.load %arg4[%swap3A, %swap3A_7] : memref<2000x81xf32, #tpu.memory_space<vmem>>, vector<2000x81xf32>
    tpu.vector_store %arg4[%swap3A, %swap3A_7], %div3A_6 {strides = array<i32>} : memref<2000x81xf32, #tpu.memory_space<vmem>>, vector<2000x81xf32>,
    %get3A_9 = arith.constant 0 : index
    %get3A_10 = arith.constant 0 : index
    %get3A_11 = vector.load %arg3[%get3A_9, %get3A_10] : memref<2000x4xf32, #tpu.memory_space<vmem>>, vector<2000x4xf32>
    %slice3A = vector.extract_strided_slice %get3A_11 {offsets = [0, 2], sizes = [2000, 1], strides = [1, 1]} : vector<2000x4xf32> to vector<2000x1xf32>
    %slice3A_12 = vector.extract_strided_slice %get3A_11 {offsets = [0, 0], sizes = [2000, 1], strides = [1, 1]} : vector<2000x4xf32> to vector<2000x1xf32>
    %sub3A_13 = arith.subf %slice3A, %slice3A_12 : vector<2000x1xf32>
    %add3A = arith.constant 1.000000e+00 : f32
    %add3A_14 = vector.broadcast %add3A : f32 to vector<2000x1xf32>
    %add3A_15 = arith.addf %sub3A_13, %add3A_14 : vector<2000x1xf32>
    %slice3A_16 = vector.extract_strided_slice %get3A_11 {offsets = [0, 3], sizes = [2000, 1], strides = [1, 1]} : vector<2000x4xf32> to vector<2000x1xf32>
    %slice3A_17 = vector.extract_strided_slice %get3A_11 {offsets = [0, 1], sizes = [2000, 1], strides = [1, 1]} : vector<2000x4xf32> to vector<2000x1xf32>
    %sub3A_18 = arith.subf %slice3A_16, %slice3A_17 : vector<2000x1xf32>
    %add3A_19 = arith.constant 1.000000e+00 : f32
    %add3A_20 = vector.broadcast %add3A_19 : f32 to vector<2000x1xf32>
    %add3A_21 = arith.addf %sub3A_18, %add3A_20 : vector<2000x1xf32>
    %slice3A_22 = vector.extract_strided_slice %get3A_11 {offsets = [0, 0], sizes = [2000, 1], strides = [1, 1]} : vector<2000x4xf32> to vector<2000x1xf32>
    %mul3A = arith.constant 5.000000e-01 : f32
    %mul3A_23 = vector.broadcast %mul3A : f32 to vector<2000x1xf32>
    %mul3A_24 = arith.mulf %mul3A_23, %add3A_15 : vector<2000x1xf32>
    %add3A_25 = arith.addf %slice3A_22, %mul3A_24 : vector<2000x1xf32>
    %slice3A_26 = vector.extract_strided_slice %get3A_11 {offsets = [0, 1], sizes = [2000, 1], strides = [1, 1]} : vector<2000x4xf32> to vector<2000x1xf32>
    %mul3A_27 = arith.constant 5.000000e-01 : f32
    %mul3A_28 = vector.broadcast %mul3A_27 : f32 to vector<2000x1xf32>
    %mul3A_29 = arith.mulf %mul3A_28, %add3A_21 : vector<2000x1xf32>
    %add3A_30 = arith.addf %slice3A_26, %mul3A_29 : vector<2000x1xf32>
    %get3A_31 = arith.constant 0 : index
    %get3A_32 = arith.constant 0 : index
    %get3A_33 = arith.constant 0 : index
    %get3A_34 = vector.load %arg2[%get3A_31, %get3A_32, %get3A_33] : memref<4x2000x81xf32, #tpu.memory_space<vmem>>, vector<1x2000x81xf32>
    %get3A_35 = vector.shape_cast %get3A_34 : vector<1x2000x81xf32> to vector<2000x81xf32>
    %div3A_36 = arith.constant 1.000000e+01 : f32
    %div3A_37 = vector.broadcast %div3A_36 : f32 to vector<2000x81xf32>
    %div3A_38 = arith.divf %get3A_35, %div3A_37 : vector<2000x81xf32>
    %get3A_39 = arith.constant 1 : index
    %get3A_40 = arith.constant 0 : index
    %get3A_41 = arith.constant 0 : index
    %get3A_42 = vector.load %arg2[%get3A_39, %get3A_40, %get3A_41] : memref<4x2000x81xf32, #tpu.memory_space<vmem>>, vector<1x2000x81xf32>
    %get3A_43 = vector.shape_cast %get3A_42 : vector<1x2000x81xf32> to vector<2000x81xf32>
    %div3A_44 = arith.constant 1.000000e+01 : f32
    %div3A_45 = vector.broadcast %div3A_44 : f32 to vector<2000x81xf32>
    %div3A_46 = arith.divf %get3A_43, %div3A_45 : vector<2000x81xf32>
    %get3A_47 = arith.constant 2 : index
    %get3A_48 = arith.constant 0 : index
    %get3A_49 = arith.constant 0 : index
    %get3A_50 = vector.load %arg2[%get3A_47, %get3A_48, %get3A_49] : memref<4x2000x81xf32, #tpu.memory_space<vmem>>, vector<1x2000x81xf32>
    %get3A_51 = vector.shape_cast %get3A_50 : vector<1x2000x81xf32> to vector<2000x81xf32>
    %div3A_52 = arith.constant 5.000000e+00 : f32
    %div3A_53 = vector.broadcast %div3A_52 : f32 to vector<2000x81xf32>
    %div3A_54 = arith.divf %get3A_51, %div3A_53 : vector<2000x81xf32>
    %min3A = arith.constant 4.13516665 : f32
    %min3A_55 = vector.broadcast %min3A : f32 to vector<2000x81xf32>
    %min3A_56 = arith.minimumf %div3A_54, %min3A_55 : vector<2000x81xf32>
    %get3A_57 = arith.constant 3 : index
    %get3A_58 = arith.constant 0 : index
    %get3A_59 = arith.constant 0 : index
    %get3A_60 = vector.load %arg2[%get3A_57, %get3A_58, %get3A_59] : memref<4x2000x81xf32, #tpu.memory_space<vmem>>, vector<1x2000x81xf32>
    %get3A_61 = vector.shape_cast %get3A_60 : vector<1x2000x81xf32> to vector<2000x81xf32>
    %div3A_62 = arith.constant 5.000000e+00 : f32
    %div3A_63 = vector.broadcast %div3A_62 : f32 to vector<2000x81xf32>
    %div3A_64 = arith.divf %get3A_61, %div3A_63 : vector<2000x81xf32>
    %min3A_65 = arith.constant 4.13516665 : f32
    %min3A_66 = vector.broadcast %min3A_65 : f32 to vector<2000x81xf32>
    %min3A_67 = arith.minimumf %div3A_64, %min3A_66 : vector<2000x81xf32>
    %mul3A_68 = vector.broadcast %add3A_15 : vector<2000x1xf32> to vector<2000x81xf32>
    %mul3A_69 = arith.mulf %div3A_38, %mul3A_68 : vector<2000x81xf32>
    %add3A_70 = vector.broadcast %add3A_25 : vector<2000x1xf32> to vector<2000x81xf32>
    %add3A_71 = arith.addf %mul3A_69, %add3A_70 : vector<2000x81xf32>
    %mul3A_72 = vector.broadcast %add3A_21 : vector<2000x1xf32> to vector<2000x81xf32>
    %mul3A_73 = arith.mulf %div3A_46, %mul3A_72 : vector<2000x81xf32>
    %add3A_74 = vector.broadcast %add3A_30 : vector<2000x1xf32> to vector<2000x81xf32>
    %add3A_75 = arith.addf %mul3A_73, %add3A_74 : vector<2000x81xf32>
    %exp3A_76 = math.exp %min3A_56 : vector<2000x81xf32>
    %mul3A_77 = vector.broadcast %add3A_15 : vector<2000x1xf32> to vector<2000x81xf32>
    %mul3A_78 = arith.mulf %exp3A_76, %mul3A_77 : vector<2000x81xf32>
    %exp3A_79 = math.exp %min3A_67 : vector<2000x81xf32>
    %mul3A_80 = vector.broadcast %add3A_21 : vector<2000x1xf32> to vector<2000x81xf32>
    %mul3A_81 = arith.mulf %exp3A_79, %mul3A_80 : vector<2000x81xf32>
    %mul3A_82 = arith.constant 5.000000e-01 : f32
    %mul3A_83 = vector.broadcast %mul3A_82 : f32 to vector<2000x81xf32>
    %mul3A_84 = arith.mulf %mul3A_83, %mul3A_78 : vector<2000x81xf32>
    %sub3A_85 = arith.subf %add3A_71, %mul3A_84 : vector<2000x81xf32>
    %jit3A = arith.constant 0.000000e+00 : f32
    %jit3A_86 = arith.constant 1.332000e+03 : f32
    %max3A = vector.broadcast %jit3A : f32 to vector<2000x81xf32>
    %max3A_87 = arith.maximumf %max3A, %sub3A_85 : vector<2000x81xf32>
    %min3A_88 = vector.broadcast %jit3A_86 : f32 to vector<2000x81xf32>
    %min3A_89 = arith.minimumf %min3A_88, %max3A_87 : vector<2000x81xf32>
    %swap3A_90 = arith.constant 0 : index
    %swap3A_91 = arith.constant 0 : index
    %swap3A_92 = vector.load %arg5[%swap3A_90, %swap3A_91] : memref<2000x81xf32, #tpu.memory_space<vmem>>, vector<2000x81xf32>
    tpu.vector_store %arg5[%swap3A_90, %swap3A_91], %min3A_89 {strides = array<i32>} : memref<2000x81xf32, #tpu.memory_space<vmem>>, vector<2000x81xf32>,
    %mul3A_93 = arith.constant 5.000000e-01 : f32
    %mul3A_94 = vector.broadcast %mul3A_93 : f32 to vector<2000x81xf32>
    %mul3A_95 = arith.mulf %mul3A_94, %mul3A_81 : vector<2000x81xf32>
    %sub3A_96 = arith.subf %add3A_75, %mul3A_95 : vector<2000x81xf32>
    %jit3A_97 = arith.constant 0.000000e+00 : f32
    %jit3A_98 = arith.constant 7.990000e+02 : f32
    %max3A_99 = vector.broadcast %jit3A_97 : f32 to vector<2000x81xf32>
    %max3A_100 = arith.maximumf %max3A_99, %sub3A_96 : vector<2000x81xf32>
    %min3A_101 = vector.broadcast %jit3A_98 : f32 to vector<2000x81xf32>
    %min3A_102 = arith.minimumf %min3A_101, %max3A_100 : vector<2000x81xf32>
    %swap3A_103 = arith.constant 0 : index
    %swap3A_104 = arith.constant 0 : index
    %swap3A_105 = vector.load %arg6[%swap3A_103, %swap3A_104] : memref<2000x81xf32, #tpu.memory_space<vmem>>, vector<2000x81xf32>
    tpu.vector_store %arg6[%swap3A_103, %swap3A_104], %min3A_102 {strides = array<i32>} : memref<2000x81xf32, #tpu.memory_space<vmem>>, vector<2000x81xf32>,
    %mul3A_106 = arith.constant 5.000000e-01 : f32
    %mul3A_107 = vector.broadcast %mul3A_106 : f32 to vector<2000x81xf32>
    %mul3A_108 = arith.mulf %mul3A_107, %mul3A_78 : vector<2000x81xf32>
    %add3A_109 = arith.addf %add3A_71, %mul3A_108 : vector<2000x81xf32>
    %sub3A_110 = arith.constant 1.000000e+00 : f32
    %sub3A_111 = vector.broadcast %sub3A_110 : f32 to vector<2000x81xf32>
    %sub3A_112 = arith.subf %add3A_109, %sub3A_111 : vector<2000x81xf32>
    %jit3A_113 = arith.constant 0.000000e+00 : f32
    %jit3A_114 = arith.constant 1.332000e+03 : f32
    %max3A_115 = vector.broadcast %jit3A_113 : f32 to vector<2000x81xf32>
    %max3A_116 = arith.maximumf %max3A_115, %sub3A_112 : vector<2000x81xf32>
    %min3A_117 = vector.broadcast %jit3A_114 : f32 to vector<2000x81xf32>
    %min3A_118 = arith.minimumf %min3A_117, %max3A_116 : vector<2000x81xf32>
    %swap3A_119 = arith.constant 0 : index
    %swap3A_120 = arith.constant 0 : index
    %swap3A_121 = vector.load %arg7[%swap3A_119, %swap3A_120] : memref<2000x81xf32, #tpu.memory_space<vmem>>, vector<2000x81xf32>
    tpu.vector_store %arg7[%swap3A_119, %swap3A_120], %min3A_118 {strides = array<i32>} : memref<2000x81xf32, #tpu.memory_space<vmem>>, vector<2000x81xf32>,
    %mul3A_122 = arith.constant 5.000000e-01 : f32
    %mul3A_123 = vector.broadcast %mul3A_122 : f32 to vector<2000x81xf32>
    %mul3A_124 = arith.mulf %mul3A_123, %mul3A_81 : vector<2000x81xf32>
    %add3A_125 = arith.addf %add3A_75, %mul3A_124 : vector<2000x81xf32>
    %sub3A_126 = arith.constant 1.000000e+00 : f32
    %sub3A_127 = vector.broadcast %sub3A_126 : f32 to vector<2000x81xf32>
    %sub3A_128 = arith.subf %add3A_125, %sub3A_127 : vector<2000x81xf32>
    %jit3A_129 = arith.constant 0.000000e+00 : f32
    %jit3A_130 = arith.constant 7.990000e+02 : f32
    %max3A_131 = vector.broadcast %jit3A_129 : f32 to vector<2000x81xf32>
    %max3A_132 = arith.maximumf %max3A_131, %sub3A_128 : vector<2000x81xf32>
    %min3A_133 = vector.broadcast %jit3A_130 : f32 to vector<2000x81xf32>
    %min3A_134 = arith.minimumf %min3A_133, %max3A_132 : vector<2000x81xf32>
    %swap3A_135 = arith.constant 0 : index
    %swap3A_136 = arith.constant 0 : index
    %swap3A_137 = vector.load %arg8[%swap3A_135, %swap3A_136] : memref<2000x81xf32, #tpu.memory_space<vmem>>, vector<2000x81xf32>
    tpu.vector_store %arg8[%swap3A_135, %swap3A_136], %min3A_134 {strides = array<i32>} : memref<2000x81xf32, #tpu.memory_space<vmem>>, vector<2000x81xf32>,
    return
  }
  func.func @transform_0(%arg0: i32) -> (i32, i32) {
    %c0_i32 = arith.constant 0 : i32
    %c0_i32_0 = arith.constant 0 : i32
    return %arg0, %c0_i32 : i32, i32
  }
  func.func @transform_1(%arg0: i32) -> (i32, i32, i32) {
    %c0_i32 = arith.constant 0 : i32
    %c0_i32_0 = arith.constant 0 : i32
    %c0_i32_1 = arith.constant 0 : i32
    return %c0_i32, %arg0, %c0_i32_0 : i32, i32, i32
  }
  func.func @transform_2(%arg0: i32) -> (i32, i32) {
    %c0_i32 = arith.constant 0 : i32
    %c0_i32_0 = arith.constant 0 : i32
    return %arg0, %c0_i32 : i32, i32
  }
  func.func @transform_3(%arg0: i32) -> (i32, i32) {
    %c0_i32 = arith.constant 0 : i32
    %c0_i32_0 = arith.constant 0 : i32
    return %arg0, %c0_i32 : i32, i32
  }
  func.func @transform_4(%arg0: i32) -> (i32, i32) {
    %c0_i32 = arith.constant 0 : i32
    %c0_i32_0 = arith.constant 0 : i32
    return %arg0, %c0_i32 : i32, i32
  }
  func.func @transform_5(%arg0: i32) -> (i32, i32) {
    %c0_i32 = arith.constant 0 : i32
    %c0_i32_0 = arith.constant 0 : i32
    return %arg0, %c0_i32 : i32, i32
  }
  func.func @transform_6(%arg0: i32) -> (i32, i32) {
    %c0_i32 = arith.constant 0 : i32
    %c0_i32_0 = arith.constant 0 : i32
    return %arg0, %c0_i32 : i32, i32
  }
  func.func @transform_7(%arg0: i32) -> (i32, i32) {
    %c0_i32 = arith.constant 0 : i32
    %c0_i32_0 = arith.constant 0 : i32
    return %arg0, %c0_i32 : i32, i32
  }
}

module attributes {stable_mosaic.version = 14 : i64} {
  func.func @_nms_body(%arg0: memref<500x80xf32, #tpu.memory_space<vmem>>, %arg1: memref<500x80xf32, #tpu.memory_space<vmem>>, %arg2: memref<500x80xf32, #tpu.memory_space<vmem>>, %arg3: memref<500x80xf32, #tpu.memory_space<vmem>>, %arg4: memref<500x80xf32, #tpu.memory_space<vmem>>, %arg5: memref<500x80xf32, #tpu.memory_space<vmem>>) attributes {dimension_semantics = [], scalar_prefetch = 0 : i64, scratch_operands = 0 : i64, tpu.core_type = #tpu.core_type<tc>} {
    %get3A = arith.constant 0 : index
    %get3A_0 = arith.constant 0 : index
    %get3A_1 = vector.load %arg0[%get3A, %get3A_0] : memref<500x80xf32, #tpu.memory_space<vmem>>, vector<500x80xf32>
    %get3A_2 = arith.constant 0 : index
    %get3A_3 = arith.constant 0 : index
    %get3A_4 = vector.load %arg1[%get3A_2, %get3A_3] : memref<500x80xf32, #tpu.memory_space<vmem>>, vector<500x80xf32>
    %get3A_5 = arith.constant 0 : index
    %get3A_6 = arith.constant 0 : index
    %get3A_7 = vector.load %arg2[%get3A_5, %get3A_6] : memref<500x80xf32, #tpu.memory_space<vmem>>, vector<500x80xf32>
    %get3A_8 = arith.constant 0 : index
    %get3A_9 = arith.constant 0 : index
    %get3A_10 = vector.load %arg3[%get3A_8, %get3A_9] : memref<500x80xf32, #tpu.memory_space<vmem>>, vector<500x80xf32>
    %sub3A = arith.subf %get3A_7, %get3A_1 : vector<500x80xf32>
    %add3A = arith.constant 1.000000e+00 : f32
    %add3A_11 = vector.broadcast %add3A : f32 to vector<500x80xf32>
    %add3A_12 = arith.addf %sub3A, %add3A_11 : vector<500x80xf32>
    %sub3A_13 = arith.subf %get3A_10, %get3A_4 : vector<500x80xf32>
    %add3A_14 = arith.constant 1.000000e+00 : f32
    %add3A_15 = vector.broadcast %add3A_14 : f32 to vector<500x80xf32>
    %add3A_16 = arith.addf %sub3A_13, %add3A_15 : vector<500x80xf32>
    %mul3A = arith.mulf %add3A_12, %add3A_16 : vector<500x80xf32>
    %broadcast_in_dim3A = arith.constant 0.000000e+00 : f32
    %broadcast_in_dim3A_17 = vector.broadcast %broadcast_in_dim3A : f32 to vector<500x80xf32>
    %swap3A = arith.constant 0 : index
    %swap3A_18 = arith.constant 0 : index
    %swap3A_19 = vector.load %arg5[%swap3A, %swap3A_18] : memref<500x80xf32, #tpu.memory_space<vmem>>, vector<500x80xf32>
    tpu.vector_store %arg5[%swap3A, %swap3A_18], %broadcast_in_dim3A_17 {strides = array<i32>} : memref<500x80xf32, #tpu.memory_space<vmem>>, vector<500x80xf32>,
    %scan3A = arith.constant 0 : i32
    %scan3A_20 = arith.constant 500 : i32
    %scan3A_21 = arith.addi %scan3A, %scan3A_20 : i32
    %scan3A_22 = arith.constant 1 : i32
    scf.for %scan3A_24 = %scan3A to %scan3A_21 step %scan3A_22  : i32 {
      %get3A_25 = arith.index_cast %scan3A_24 : i32 to index
      %get3A_26 = arith.constant 0 : index
      %get3A_27 = vector.load %arg0[%get3A_25, %get3A_26] : memref<500x80xf32, #tpu.memory_space<vmem>>, vector<1x80xf32>
      %get3A_28 = arith.index_cast %scan3A_24 : i32 to index
      %get3A_29 = arith.constant 0 : index
      %get3A_30 = vector.load %arg1[%get3A_28, %get3A_29] : memref<500x80xf32, #tpu.memory_space<vmem>>, vector<1x80xf32>
      %get3A_31 = arith.index_cast %scan3A_24 : i32 to index
      %get3A_32 = arith.constant 0 : index
      %get3A_33 = vector.load %arg2[%get3A_31, %get3A_32] : memref<500x80xf32, #tpu.memory_space<vmem>>, vector<1x80xf32>
      %get3A_34 = arith.index_cast %scan3A_24 : i32 to index
      %get3A_35 = arith.constant 0 : index
      %get3A_36 = vector.load %arg3[%get3A_34, %get3A_35] : memref<500x80xf32, #tpu.memory_space<vmem>>, vector<1x80xf32>
      %sub3A_37 = arith.subf %get3A_33, %get3A_27 : vector<1x80xf32>
      %add3A_38 = arith.constant 1.000000e+00 : f32
      %add3A_39 = vector.broadcast %add3A_38 : f32 to vector<1x80xf32>
      %add3A_40 = arith.addf %sub3A_37, %add3A_39 : vector<1x80xf32>
      %sub3A_41 = arith.subf %get3A_36, %get3A_30 : vector<1x80xf32>
      %add3A_42 = arith.constant 1.000000e+00 : f32
      %add3A_43 = vector.broadcast %add3A_42 : f32 to vector<1x80xf32>
      %add3A_44 = arith.addf %sub3A_41, %add3A_43 : vector<1x80xf32>
      %mul3A_45 = arith.mulf %add3A_40, %add3A_44 : vector<1x80xf32>
      %min3A = vector.broadcast %get3A_33 : vector<1x80xf32> to vector<500x80xf32>
      %min3A_46 = arith.minimumf %min3A, %get3A_7 : vector<500x80xf32>
      %max3A = vector.broadcast %get3A_27 : vector<1x80xf32> to vector<500x80xf32>
      %max3A_47 = arith.maximumf %max3A, %get3A_1 : vector<500x80xf32>
      %sub3A_48 = arith.subf %min3A_46, %max3A_47 : vector<500x80xf32>
      %add3A_49 = arith.constant 1.000000e+00 : f32
      %add3A_50 = vector.broadcast %add3A_49 : f32 to vector<500x80xf32>
      %add3A_51 = arith.addf %sub3A_48, %add3A_50 : vector<500x80xf32>
      %max3A_52 = arith.constant 0.000000e+00 : f32
      %max3A_53 = vector.broadcast %max3A_52 : f32 to vector<500x80xf32>
      %max3A_54 = arith.maximumf %add3A_51, %max3A_53 : vector<500x80xf32>
      %min3A_55 = vector.broadcast %get3A_36 : vector<1x80xf32> to vector<500x80xf32>
      %min3A_56 = arith.minimumf %min3A_55, %get3A_10 : vector<500x80xf32>
      %max3A_57 = vector.broadcast %get3A_30 : vector<1x80xf32> to vector<500x80xf32>
      %max3A_58 = arith.maximumf %max3A_57, %get3A_4 : vector<500x80xf32>
      %sub3A_59 = arith.subf %min3A_56, %max3A_58 : vector<500x80xf32>
      %add3A_60 = arith.constant 1.000000e+00 : f32
      %add3A_61 = vector.broadcast %add3A_60 : f32 to vector<500x80xf32>
      %add3A_62 = arith.addf %sub3A_59, %add3A_61 : vector<500x80xf32>
      %max3A_63 = arith.constant 0.000000e+00 : f32
      %max3A_64 = vector.broadcast %max3A_63 : f32 to vector<500x80xf32>
      %max3A_65 = arith.maximumf %add3A_62, %max3A_64 : vector<500x80xf32>
      %mul3A_66 = arith.mulf %max3A_54, %max3A_65 : vector<500x80xf32>
      %add3A_67 = vector.broadcast %mul3A_45 : vector<1x80xf32> to vector<500x80xf32>
      %add3A_68 = arith.addf %mul3A, %add3A_67 : vector<500x80xf32>
      %sub3A_69 = arith.subf %add3A_68, %mul3A_66 : vector<500x80xf32>
      %mul3A_70 = arith.constant 5.000000e-01 : f32
      %mul3A_71 = vector.broadcast %mul3A_70 : f32 to vector<500x80xf32>
      %mul3A_72 = arith.mulf %mul3A_71, %sub3A_69 : vector<500x80xf32>
      %gt3A = arith.cmpf ogt, %mul3A_66, %mul3A_72 : vector<500x80xf32>
      %get3A_73 = arith.constant 0 : index
      %get3A_74 = arith.constant 0 : index
      %get3A_75 = vector.load %arg5[%get3A_73, %get3A_74] : memref<500x80xf32, #tpu.memory_space<vmem>>, vector<500x80xf32>
      %jit3A = arith.constant 0.000000e+00 : f32
      %broadcast_in_dim3A_76 = vector.broadcast %jit3A : f32 to vector<500x80xf32>
      %select_n3A = arith.select %gt3A, %get3A_75, %broadcast_in_dim3A_76 : vector<500x80xi1>, vector<500x80xf32>
      %reduce_max3A = arith.constant dense<0xFF800000> : vector<80xf32>
      %reduce_max3A_77 = vector.multi_reduction <maximumf>, %select_n3A, %reduce_max3A [0] : vector<500x80xf32> to vector<80xf32>
      %broadcast_in_dim3A_78 = vector.shape_cast %reduce_max3A_77 : vector<80xf32> to vector<1x80xf32>
      %get3A_79 = arith.index_cast %scan3A_24 : i32 to index
      %get3A_80 = arith.constant 0 : index
      %get3A_81 = vector.load %arg4[%get3A_79, %get3A_80] : memref<500x80xf32, #tpu.memory_space<vmem>>, vector<1x80xf32>
      %sub3A_82 = arith.constant 1.000000e+00 : f32
      %sub3A_83 = vector.broadcast %sub3A_82 : f32 to vector<1x80xf32>
      %sub3A_84 = arith.subf %sub3A_83, %broadcast_in_dim3A_78 : vector<1x80xf32>
      %mul3A_85 = arith.mulf %get3A_81, %sub3A_84 : vector<1x80xf32>
      %swap3A_86 = arith.index_cast %scan3A_24 : i32 to index
      %swap3A_87 = arith.constant 0 : index
      %swap3A_88 = vector.load %arg5[%swap3A_86, %swap3A_87] : memref<500x80xf32, #tpu.memory_space<vmem>>, vector<1x80xf32>
      tpu.vector_store %arg5[%swap3A_86, %swap3A_87], %mul3A_85 {strides = array<i32>} : memref<500x80xf32, #tpu.memory_space<vmem>>, vector<1x80xf32>,
    }
    %scan3A_23 = arith.constant 500 : i32
    return
  }
}

</mosaic_0001>

<sc_bundles>
// kernel: gather_offload_async_start
scs
__scs_entry_jumppad:
0x0: {  	(pc) =	sbr.rel $0x88, $3  }
0x1: {  	(tag) =	ssettag $0x0;
	lr =	simm.s32 $0x1  }
0x2: {  	[smem:$0x3F9E] =	sst lr;
	_ =	strace $0xD0000000  }
0x3: {  	_ = 	snop  }
0x4: {  	_ = 	snop  }
0x5: {  	_ = 	snop  }
0x6: {  	_ = 	snop  }
0x7: {  	_ = 	snop  }
__scs_overlays_trampoline_lowered:
0x8: {  	[smem:$0x3FAD] =	sst s0  }
0x9: {  	[smem:$0x3FAE] =	sst s1  }
0xa: {  	[smem:$0x3FAF] =	sst s2  }
0xb: {  	[smem:$0x3FB0] =	sst s3  }
0xc: {  	[smem:$0x3FB1] =	sst s4  }
0xd: {  	[smem:$0x3FB2] =	sst s5  }
0xe: {  	[smem:$0x3FB3] =	sst s6  }
0xf: {  	[smem:$0x3FB4] =	sst s7  }
0x10: {  	[smem:$0x3FB5] =	sst s8  }
0x11: {  	[smem:$0x3FB6] =	sst s9;
	s0 =	simm.s32 @!p0 $0x0  }
0x12: {  	s1 =	sld [smem:$0x3F9C];
	s0 =	simm.s32 @p0 $0x1  }
0x13: {  	[smem:$0x3FB7] =	sst s0;
	s0 =	simm.s32 @!p1 $0x0  }
0x14: {  	s2 =	sld [smem:$0x3F9B];
	s0 =	simm.s32 @p1 $0x1  }
0x15: {  	[smem:$0x3FB8] =	sst s0;
	s0 =	simm.s32 @!p2 $0x0  }
0x16: {  	s3 =	sld [smem:$0x3FDB];
	s0 =	simm.s32 @p2 $0x1  }
0x17: {  	s4 =	simm.s32 $0x1BF5;
	[smem:$0x3FBA] =	sst s0  }
0x18: {  	s0 =	sld [smem:$0x3F9D];
	_ =	swait.ge [sflag:s4], $0x0  }
0x19: {  	s7 =	sld [smem:$0x3F9E]  }
0x1a: {  	s8 =	sadd.s32 $0xFFFFE003, lr  }
0x1b: {  	s9 =	sadd.s32 $0xFFFFFEF7, lr;
	s5 =	simm.s32 $0xFFFFFFFF;
	p2 =	slt.u32 s8, $0xFFFFF086  }
0x1c: {  	p1 =	slt.u32 s9, $0xF7A;
	s5 =	simm.s32 @!p2 $0x0  }
0x1d: {  	s5 =	simm.s32 @p1 $0x1;
	p0 =	seq.s32 s7, s2  }
0x1e: {  	s7 =	smul.u32 @!p0 $0xF7A, s2;
	p2 =	seq.s32 @!p0 s5, $0x0  }
0x1f: {  	s9 =	smul.u32 $0xF7A, s1;
	s8 =	simm.s32 @!p0 $0x1BF5;
	p2 =	por !p2, p0  }
0x20: {  	[sflag:s8] =	ssyncset.s32 @!p0 $0xFFFFF086;
	s6 =	sadd.s32 @!p0 s3, s7;
	s7 =	simm.s32 @!p0 $0x108  }
0x21: {  	s3 =	sadd.s32 s3, s9;
	s6 =	sadd.s32 @!p0 $0x88, s6;
	s7 =	simm.s32 @p2 $0x1082  }
0x22: {  	[simem:s7], [sflag:s8] =	dma.local @!p0 [hbm:s6], $0xF7A  }
0x23: {  	s9 =	sor.u32 $0xD0000000, s2;
	s6 =	simm.s32 $0x108;
	_ =	swait.ge @!p0 [sflag:s8], $0x0  }
0x24: {  	s3 =	sadd.s32 $0x88, s3;
	s6 =	simm.s32 @!p1 $0x1082;
	[sflag:s4] =	ssyncset.s32 $0xFFFFF086  }
0x25: {  	[simem:s6], [sflag:s4] =	dma.local [hbm:s3], $0xF7A  }
0x26: {  	[smem:$0x3F9E] =	sst s1;
	(tag) =	ssettag s2;
	_ =	strace s9  }
0x27: {  	s1 =	sld [smem:$0x3FAE]  }
0x28: {  	s2 =	sld [smem:$0x3FAF]  }
0x29: {  	s4 =	sld [smem:$0x3FB1]  }
0x2a: {  	p0 =	seq.s32 s5, $0x0;
	s5 =	sld [smem:$0x3FB2]  }
0x2b: {  	s6 =	sld [smem:$0x3FB3]  }
0x2c: {  	s7 =	sld [smem:$0x3FB4]  }
0x2d: {  	s3 =	simm.s32 $0x108;
	s8 =	sld [smem:$0x3FB5]  }
0x2e: {  	s3 =	simm.s32 @!p0 $0x1082;
	s9 =	sld [smem:$0x3FB6]  }
0x2f: {  	lr =	sadd.s32 s0, s3;
	s0 =	sld [smem:$0x3FAD]  }
0x30: {  	s3 =	sld [smem:$0x3FB0]  }
0x31: {  	[smem:$0x3FB9] =	sst s10  }
0x32: {  	s10 =	sld [smem:$0x3FB7];
	_ =	sdelay $0x3  }
0x33: {  	p0 =	seq.s32 s10, $0x1;
	s10 =	sld [smem:$0x3FB9];
	_ =	sdelay $0x3  }
0x34: {  	[smem:$0x3FB9] =	sst s10  }
0x35: {  	s10 =	sld [smem:$0x3FB8];
	_ =	sdelay $0x3  }
0x36: {  	p1 =	seq.s32 s10, $0x1;
	s10 =	sld [smem:$0x3FB9];
	_ =	sdelay $0x3  }
0x37: {  	[smem:$0x3FB9] =	sst s10  }
0x38: {  	s10 =	sld [smem:$0x3FBA]  }
0x39: {  	_ = 	snop;
	(pc) =	sbr.ind lr, $3  }
0x3a: {  	_ = 	snop  }
0x3b: {  	_ = 	snop  }
0x3c: {  	p2 =	seq.s32 s10, $0x1;
	s10 =	sld [smem:$0x3FB9]  }
0x3d: {  	_ =	shalt  }
0x3e: {  	_ =	shalt  }
0x3f: {  	_ =	shalt  }
0x40: {  	_ =	shalt  }
0x41: {  	_ =	shalt  }
0x42: {  	_ =	shalt  }
0x43: {  	_ =	shalt  }
0x44: {  	_ =	shalt  }
0x45: {  	_ =	shalt  }
0x46: {  	_ =	shalt  }
0x47: {  	_ =	shalt  }
0x48: {  	_ =	shalt  }
0x49: {  	_ =	shalt  }
0x4a: {  	_ =	shalt  }
0x4b: {  	_ =	shalt  }
0x4c: {  	_ =	shalt  }
0x4d: {  	_ =	shalt  }
0x4e: {  	_ =	shalt  }
0x4f: {  	_ =	shalt  }
0x50: {  	_ =	shalt  }
0x51: {  	_ =	shalt  }
0x52: {  	_ =	shalt  }
0x53: {  	_ =	shalt  }
0x54: {  	_ =	shalt  }
0x55: {  	_ =	shalt  }
0x56: {  	_ =	shalt  }
0x57: {  	_ =	shalt  }
0x58: {  	_ =	shalt  }
0x59: {  	_ =	shalt  }
0x5a: {  	_ =	shalt  }
0x5b: {  	_ =	shalt  }
0x5c: {  	_ =	shalt  }
0x5d: {  	_ =	shalt  }
0x5e: {  	_ =	shalt  }
0x5f: {  	_ =	shalt  }
0x60: {  	_ =	shalt  }
0x61: {  	_ =	shalt  }
0x62: {  	_ =	shalt  }
0x63: {  	_ =	shalt  }
0x64: {  	_ =	shalt  }
0x65: {  	_ =	shalt  }
0x66: {  	_ =	shalt  }
0x67: {  	_ =	shalt  }
0x68: {  	_ =	shalt  }
0x69: {  	_ =	shalt  }
0x6a: {  	_ =	shalt  }
0x6b: {  	_ =	shalt  }
0x6c: {  	_ =	shalt  }
0x6d: {  	_ =	shalt  }
0x6e: {  	_ =	shalt  }
0x6f: {  	_ =	shalt  }
0x70: {  	_ =	shalt  }
0x71: {  	_ =	shalt  }
0x72: {  	_ =	shalt  }
0x73: {  	_ =	shalt  }
0x74: {  	_ =	shalt  }
0x75: {  	_ =	shalt  }
0x76: {  	_ =	shalt  }
0x77: {  	_ =	shalt  }
0x78: {  	_ =	shalt  }
0x79: {  	_ =	shalt  }
0x7a: {  	_ =	shalt  }
0x7b: {  	_ =	shalt  }
0x7c: {  	_ =	shalt  }
0x7d: {  	_ =	shalt  }
0x7e: {  	_ =	shalt  }
0x7f: {  	_ =	shalt  }
0x80: {  	_ =	shalt  }
0x81: {  	_ =	shalt  }
0x82: {  	_ =	shalt  }
0x83: {  	_ =	shalt  }
0x84: {  	_ =	shalt  }
0x85: {  	_ =	shalt  }
0x86: {  	_ =	shalt  }
0x87: {  	_ =	shalt  }
.Lfunc_end0:
.L_simem_size_0:
called_computation_lowered:
.L_overlay_start_0:
0x88: {  	s2 =	sld [smem:$0x3FD9]  }
0x89: {  	s3 =	sld [smem:$0x3FFE];
	_ =	sdelay $0x1  }
0x8a: {  	s1 =	srdreg.scid  }
0x8b: {  	s0 =	sand.u32 $0x1, s1  }
0x8c: {  	s16 =	sshll.u32 s0, $0xA;
	s2 =	sadd.s32 s3, s2  }
0x8d: {  	s2 =	sadd.s32 s2, s16  }
0x8e: {  	[smem:$0x3FC5] =	sst s2  }
0x8f: {  	_ = 	snop  }
0x90: {  	(tm) =	ssettm $0x1  }
0x91: {  	s17 =	sld [smem:$0x3FFB];
	_ =	sdelay $0x3  }
0x92: {  	_ =	strace s17  }
0x93: {  	s2 =	sld [smem:$0x3FFC];
	_ =	sdelay $0x3  }
0x94: {  	_ =	strace s2  }
0x95: {  	s2 =	sld [smem:$0x3FFD];
	_ =	sdelay $0x3  }
0x96: {  	_ =	strace s2  }
0x97: {  	_ =	strace $0x8FFFFFFF  }
0x98: {  	s18 =	sld [smem:$0x3FDB];
	_ =	sdelay $0x1  }
0x99: {  	s19 =	simm.s32 $_scs_section_size  }
0x9a: {  	s4 =	simm.s32 $_size__tile_overlayer_lowered;
	s5 =	simm.s32 $_tile_overlayer_lowered  }
0x9b: {  	s22 =	simm.s32 $0x1BFF;
	s21 =	sshll.u32 s5, $0x1;
	s2 =	sadd.s32 s19, s18  }
0x9c: {  	s6 =	simm.s32 $0x0;
	s20 =	sshll.u32 s4, $0x1;
	s4 =	sadd.s32 s21, s2  }
0x9d: {  	[timem:s6], [sflag:s22] =	dma.local [hbm:s4], s20  }
0x9e: {  	_ =	swait.ge [sflag:s22], s20  }
0x9f: {  	s3 =	ssub.s32 $0x0, s20;
	[sflag:s22] =	ssyncset.done $0x0  }
0xa0: {  	[sflag:s22] =	ssyncadd.s32 s3;
	_ =	sdelay $0x1  }
0xa1: {  	s23 =	simm.s32 $0x1B8B  }
0xa2: {  	_ =	swait.ge [sflag:s23], $0x1  }
0xa3: {  	[sflag:s23] =	ssyncset.done $0x0  }
0xa4: {  	s25 =	simm.s32 $0x1B8E;
	s24 =	sld [smem:$0x3FFE];
	[sflag:s23] =	ssyncadd.s32 $0xFFFFFFFF  }
0xa5: {  	s26 =	simm.s32 $execute0_lowered;
	[smem:$0x3FD2] =	sst s25  }
0xa6: {  	s4 =	sshll.u32 s26, $0x1;
	_ =	strace $0x80000046;
	[dreg:$0x1] =	wrdreg $0xFFFFFFFF  }
0xa7: {  	s28 =	simm.s32 $_size_execute0_lowered;
	s2 =	sadd.s32 s2, s4;
	[dreg:$0x0] =	wrdreg $0x0  }
0xa8: {  	s4 =	sshll.u32 s28, $0x1;
	[dreg:$0x2] =	wrdreg s2  }
0xa9: {  	[dreg:$0x3] =	wrdreg s4  }
0xaa: {  	[dreg:$0x4] =	wrdreg $0xC0  }
0xab: {  	_ =	task [dreg:s6], $0x5FFFF  }
0xac: {  	[dreg:$0x1] =	wrdreg $0xFFFFFFFF  }
0xad: {  	[dreg:$0x0] =	wrdreg $0x60  }
0xae: {  	[dreg:$0x2] =	wrdreg s24  }
0xaf: {  	[dreg:$0x3] =	wrdreg $0x9  }
0xb0: {  	_ =	task.clear_ibuf [dreg:s6], $0x4FFFF;
	_ =	strace $0x90000046  }
0xb1: {  	s29 =	simm.s32 $0x9;
	_ =	strace $0x80000048  }
0xb2: {  	_ =	swait.ge [sflag:s29], $0x1  }
0xb3: {  	[sflag:s29] =	ssyncadd.s32 $0xFFFFFFFF  }
0xb4: {  	_ =	strace $0x90000048  }
0xb5: {  	_ =	sfence  }
0xb6: {  	s30 =	sld [smem:$0x0];
	_ =	sdelay $0x2  }
0xb7: {  	s31 =	sshll.u32 s1, $0xD;
	s1 =	sshrl.u32 s1, $0x2  }
0xb8: {  	s3 =	sand.u32 $0x4000, s31;
	s1 =	sadd.s32 s1, s30  }
0xb9: {  	s0 =	sor.u32 s3, s0;
	s1 =	sshll.u32 s1, $0x11  }
0xba: {  	s0 =	sor.u32 s1, s0  }
0xbb: {  	s0 =	sadd.s32 $0x8F2B, s0  }
0xbc: {  	[sflag:s0] =	ssyncadd.remote.s32 $0x1  }
0xbd: {  	_ =	sfence.sel $0xFFFF  }
0xbe: {  	[dreg:$0x0] =	wrdreg $0xFFFFFFFF;
	(pc) =	sbr.abs _section_cstart, $3  }
0xbf: {  	[dreg:$0x1] =	wrdreg $0xFFFFFFFF  }
0xc0: {  	_ =	task.clear_ibuf [dreg:s6], $0x2FFFF;
	_ =	strace $0x9FFFFFFF  }
0xc1: {  	(tm) =	ssettm $0x7FFFFFFF  }
tec
execute0_lowered:
.L_overlay_start_1:
0x0: {  	(tag) =	ssettag $0x1  }
0x1: {  	s1 =	srdreg.scid  }
0x2: {  	s0 =	stileid.u32;
	s2 =	rddreg [dreg:$0x0];
	s6 =	simm.s32 $0x1  }
0x3: {  	s9 =	simm.s32 $0x1;
	s10 =	simm.s32 $0x3;
	s1 =	sshll.u32 s1, $0x7  }
0x4: {  	s13 =	simm.s32 $0x0;
	s3 =	sshll.u32 s0, $0x8;
	s4 =	sand.u32 $0x80, s1  }
0x5: {  	s12 =	simm.s32 $0x0;
	s5 =	sadd.s32 $0x114800, s2;
	s3 =	sor.u32 s3, s4  }
0x6: {  	s1 =	rddreg [dreg:$0x1];
	_ =	strace $0x80000047;
	s8 =	ssub.s32 $0x9C80, s3  }
.Ltmp0:
0x7: {  	s4 =	sadd.s32 $0xC4400, s2;
	s7 =	sand.u32 $0xF80, s8;
	(pc) =	sbr.rel .LBB2_1-.Ltmp0, $4  }
0x8: {  	[sflag:s6] =	ssyncpa.u1 $0x0;
	s11 =	smov.u32 s3;
	p0 =	sne.s32 s7, $0x0  }
0x9: {  	s8 =	sshrl.u32 s8, $0xC;
	s7 =	simm.s32 $0x2;
	s9 =	simm.s32 @!p0 $0x0  }
0xa: {  	[sflag:s7] =	ssyncpa.u1 $0x0;
	p0 =	por $0x0, $0x0;
	s8 =	sadd.s32 s9, s8  }
0xb: {  	vm0 =	vmmov $0xffff;
	v0 =	vlaneseq.u32;
	[sflag:s10] =	ssyncpa.u1 $0x0;
	s10 =	simm.s32 $0x0;
	s9 =	sadd.s32 $0x1, s8  }
.LBB2_4:
0xc: {  	_ =	sdelay $0x3  }
0xd: {  	[tilespmem:s21], [sflag:$0x1] =	stream.indirect_vreg.gather [hbm4b:s2+s10], $0x1, v1, vm0, $0x4038;
	[tilespmem:$0x500] =	vst v63  }
0xe: {  	s15 =	sadd.s32 s17, s15  }
0xf: {  	v1 =	vld.msk [tilespmem:s15+$0x0 ss:$0x1], $0xffff;
	_ =	sdelay $0x4  }
0x10: {  	v2 =	vshrl.u32 v1, $0x7  }
0x11: {  	v3 =	vand.u32 $0x7F, v1;
	vm1 =	veq.s32 v1, $0x80000000;
	v1 =	vand.u32 $0x7FFF, v2  }
0x12: {  	p1 =	sgt.s32 s18, $0x0;
	v2 =	vmul.u32 $0x13A00, v3;
	v1 =	vsel vm1, $0xFFFFFFFF, v1  }
0x13: {  	s18 =	simm.s32 @!p1 $0x0;
	v3 =	vshll.u32 v1, $0x2  }
0x14: {  	s26 =	smin.u32 s18, $0x10;
	v2 =	vsel vm1, $0xFFFEC600, v2;
	v3 =	vand.u32 $0xFFFFFE00, v3  }
0x15: {  	v1 =	vand.u32 $0x7F, v1;
	v2 =	vadd.s32 v2, v3;
	v3 =	vmov s26  }
0x16: {  	v1 =	vor.u32 v1, v2;
	vm1 =	vgt.u32 v3, v0  }
0x17: {  	v2 =	vnsel vm1, $0x7FFFFFFF, v1;
	_ =	sdelay $0x1  }
0x18: {  	v3 =	vor.u32 $0x80, v1  }
0x19: {  	(ifvalue) =	ssetifvalue $0x7FFFFFFF;
	v3 =	vnsel vm1, $0x7FFFFFFF, v3  }
0x1a: {  	s28 =	sadd.s32 s17, s16;
	(ifvalue) =	ssetifvalue $0x7FFFFFFF  }
0x1b: {  	v4 =	vor.u32 $0x100, v1;
	[tilespmem:s28], [sflag:$0x1] =	stream.indirect_vreg.gather [hbm4b:s2+s10], $0x1, v2, vm0, $0x4038;
	[tilespmem:$0x500] =	vst v63  }
0x1c: {  	(ifvalue) =	ssetifvalue $0x7FFFFFFF;
	v2 =	vnsel vm1, $0x7FFFFFFF, v4  }
0x1d: {  	s16 =	sadd.s32 $0x80, s28;
	(ifvalue) =	ssetifvalue $0x7FFFFFFF  }
0x1e: {  	v1 =	vor.u32 $0x180, v1;
	[tilespmem:s16], [sflag:$0x1] =	stream.indirect_vreg.gather [hbm4b:s2+s10], $0x1, v3, vm0, $0x4038;
	[tilespmem:$0x500] =	vst v63  }
0x1f: {  	v1 =	vnsel vm1, $0x7FFFFFFF, v1;
	(ifvalue) =	ssetifvalue $0x7FFFFFFF  }
0x20: {  	s29 =	sadd.s32 $0x100, s28;
	(ifvalue) =	ssetifvalue $0x7FFFFFFF  }
0x21: {  	[tilespmem:s29], [sflag:$0x1] =	stream.indirect_vreg.gather [hbm4b:s2+s10], $0x1, v2, vm0, $0x4038;
	[tilespmem:$0x500] =	vst v63  }
0x22: {  	(ifvalue) =	ssetifvalue $0x7FFFFFFF  }
0x23: {  	s30 =	sshll.u32 s13, $0x2;
	s15 =	sadd.s32 $0x180, s28;
	(ifvalue) =	ssetifvalue $0x7FFFFFFF  }
0x24: {  	[tilespmem:s15], [sflag:$0x1] =	stream.indirect_vreg.gather [hbm4b:s2+s10], $0x1, v1, vm0, $0x4038;
	[tilespmem:$0x500] =	vst v63  }
0x25: {  	s31 =	sand.u32 $0x78, s13;
	s15 =	sand.u32 $0xFFFFFE00, s30  }
0x26: {  	_ =	swait.ge [sflag:s6], $0x200;
	s13 =	sor.u32 s31, s15  }
0x27: {  	[sflag:s6] =	ssyncset.done $0x0;
	s13 =	sshrl.u32 s13, $0x3  }
0x28: {  	[sflag:s6] =	ssyncadd.s32 $0xFFFFFE00;
	s13 =	sadd.s32 s5, s13  }
0x29: {  	[hbm:s13] =	stream.linear.scatter [tilespmem:s14], [sflag:$0x3], $0x200, $0x38;
	[tilespmem:$0x500] =	vst v63  }
.LBB2_5:
0x2a: {  	s15 =	sadd.s32 $0x1000, s11  }
0x2b: {  	p2 =	sgt.s32 s15, $0x9C7F  }
0x2c: {  	s15 =	smov.u32 @p2 s3;
	p2 =	sne.s32 s12, s9  }
.Ltmp1:
0x2d: {  	p1 =	slt.u32 s12, $0x2;
	(pc) =	sbr.rel @!p2 .LBB2_6-.Ltmp1, $4  }
0x2e: {  	s14 =	simm.s32 @!p1 $0x3  }
0x2f: {  	s16 =	sadd.s32 $0x1, s12;
	_ =	swait.ge @!p1 [sflag:s14], $0x200  }
0x30: {  	s13 =	smov.u32 s11;
	p0 =	por !p0, !p0;
	[sflag:s14] =	ssyncset.done @!p1 $0x0  }
0x31: {  	s12 =	smov.u32 s16;
	s11 =	smov.u32 s15;
	[sflag:s14] =	ssyncadd.s32 @!p1 $0xFFFFFE00  }
.LBB2_1:
0x32: {  	p1 =	sge.u32 s12, s8  }
0x33: {  	s14 =	sxor.u32 @!p1 $0xFFFFFFFF, s12  }
0x34: {  	s31 =	sadd.s32 $0xFFFFFFFF, s12;
	s15 =	sshrl.u32 @!p1 s11, $0x3;
	s14 =	sshll.u32 @!p1 s14, $0x7  }
0x35: {  	s16 =	sand.u32 @!p1 $0x7, s11;
	s15 =	sadd.s32 @!p1 s4, s15;
	s14 =	sand.u32 @!p1 $0x80, s14  }
0x36: {  	[tilespmem:s14], [sflag:$0x2] =	stream.linear.gather @!p1 [hbm4b:s15+s16], $0x80, $0x38;
	[tilespmem:$0x500] =	vst v63  }
0x37: {  	p1 =	sge.u32 s31, s8  }
.Ltmp2:
0x38: {  	_ = 	snop;
	(pc) =	sbr.rel @p1 .LBB2_5-.Ltmp2, $1  }
0x39: {  	_ =	sdelay $0x3  }
0x3a: {  	s14 =	simm.s32 $0x1  }
0x3b: {  	_ =	swait.ge [sflag:s7], $0x80;
	s14 =	simm.s32 @!p0 $0x0  }
0x3c: {  	[sflag:s7] =	ssyncset.done $0x0;
	s15 =	sshll.u32 s14, $0x7  }
0x3d: {  	[sflag:s7] =	ssyncadd.s32 $0xFFFFFF80;
	s16 =	sadd.s32 $0x0, s15  }
0x3e: {  	v1 =	vld.msk [tilespmem:s16+$0x0 ss:$0x1], $0xffff;
	_ =	sdelay $0x3  }
0x3f: {  	s18 =	ssub.s32 $0x9C40, s13  }
0x40: {  	p1 =	slt.s32 s18, $0x80;
	v2 =	vshrl.u32 v1, $0x7  }
0x41: {  	s18 =	simm.s32 @!p1 $0x80;
	v3 =	vand.u32 $0x7F, v1;
	vm1 =	veq.s32 v1, $0x80000000;
	v1 =	vand.u32 $0x7FFF, v2  }
0x42: {  	p1 =	sgt.s32 s18, $0x0;
	s16 =	smov.u32 s18;
	v2 =	vmul.u32 $0x13A00, v3;
	v1 =	vsel vm1, $0xFFFFFFFF, v1  }
0x43: {  	s16 =	simm.s32 @!p1 $0x0;
	v3 =	vshll.u32 v1, $0x2  }
0x44: {  	s16 =	smin.u32 s16, $0x10;
	v2 =	vsel vm1, $0xFFFEC600, v2;
	v3 =	vand.u32 $0xFFFFFE00, v3  }
0x45: {  	v1 =	vand.u32 $0x7F, v1;
	v2 =	vadd.s32 v2, v3;
	v3 =	vmov s16  }
0x46: {  	v1 =	vor.u32 v1, v2;
	vm1 =	vgt.u32 v3, v0  }
0x47: {  	v2 =	vnsel vm1, $0x7FFFFFFF, v1;
	_ =	sdelay $0x1  }
0x48: {  	s14 =	sshll.u32 s14, $0x9;
	v3 =	vor.u32 $0x80, v1  }
0x49: {  	(ifvalue) =	ssetifvalue $0x7FFFFFFF;
	s16 =	sor.u32 $0x100, s14;
	v3 =	vnsel vm1, $0x7FFFFFFF, v3  }
0x4a: {  	(ifvalue) =	ssetifvalue $0x7FFFFFFF;
	s19 =	sadd.s32 $0x0, s16  }
0x4b: {  	v4 =	vor.u32 $0x100, v1;
	[tilespmem:s19], [sflag:$0x1] =	stream.indirect_vreg.gather [hbm4b:s2+s10], $0x1, v2, vm0, $0x4038;
	[tilespmem:$0x500] =	vst v63  }
0x4c: {  	(ifvalue) =	ssetifvalue $0x7FFFFFFF;
	v2 =	vnsel vm1, $0x7FFFFFFF, v4  }
0x4d: {  	s17 =	sadd.s32 $0x80, s19;
	(ifvalue) =	ssetifvalue $0x7FFFFFFF  }
0x4e: {  	v1 =	vor.u32 $0x180, v1;
	[tilespmem:s17], [sflag:$0x1] =	stream.indirect_vreg.gather [hbm4b:s2+s10], $0x1, v3, vm0, $0x4038;
	[tilespmem:$0x500] =	vst v63  }
0x4f: {  	s30 =	sshll.u32 s12, $0x9;
	s20 =	simm.s32 $0x80;
	v1 =	vnsel vm1, $0x7FFFFFFF, v1;
	(ifvalue) =	ssetifvalue $0x7FFFFFFF  }
0x50: {  	s14 =	sand.u32 $0x200, s30;
	s31 =	sadd.s32 $0x100, s19;
	(ifvalue) =	ssetifvalue $0x7FFFFFFF  }
0x51: {  	[tilespmem:s31], [sflag:$0x1] =	stream.indirect_vreg.gather [hbm4b:s2+s10], $0x1, v2, vm0, $0x4038;
	[tilespmem:$0x500] =	vst v63  }
0x52: {  	s18 =	sadd.s32 $0xFFFFFFF0, s18;
	s14 =	sor.u32 $0x100, s14;
	(ifvalue) =	ssetifvalue $0x7FFFFFFF  }
0x53: {  	s21 =	sadd.s32 $0x180, s19;
	s17 =	simm.s32 $0x10;
	(ifvalue) =	ssetifvalue $0x7FFFFFFF  }
.LBB2_3:
0x54: {  	[tilespmem:s21], [sflag:$0x1] =	stream.indirect_vreg.gather [hbm4b:s2+s10], $0x1, v1, vm0, $0x4038;
	[tilespmem:$0x500] =	vst v63  }
0x55: {  	s19 =	smov.u32 s20  }
0x56: {  	s22 =	sadd.s32 s17, s15;
	s21 =	sshra.s32 s19, $0x2;
	s19 =	sadd.s32 $0x40, s20  }
0x57: {  	p1 =	sne.s32 s20, $0x1C0;
	v1 =	vld.msk [tilespmem:s22+$0x0 ss:$0x1], $0xffff  }
0x58: {  	(ifvalue) =	ssetifvalue $0x7FFFFFFF;
	_ =	sdelay $0x4  }
0x59: {  	v2 =	vand.u32 $0x7F, v1;
	v3 =	vshrl.u32 v1, $0x7  }
0x5a: {  	vm1 =	veq.s32 v1, $0x80000000;
	v1 =	vand.u32 $0x7FFF, v3;
	v2 =	vmul.u32 $0x13A00, v2  }
0x5b: {  	p2 =	sgt.s32 s18, $0x0;
	s20 =	smov.u32 s18;
	v1 =	vsel vm1, $0xFFFFFFFF, v1  }
0x5c: {  	s20 =	simm.s32 @!p2 $0x0;
	v2 =	vsel vm1, $0xFFFEC600, v2;
	v3 =	vshll.u32 v1, $0x2  }
0x5d: {  	s20 =	smin.u32 s20, $0x10;
	v3 =	vand.u32 $0xFFFFFE00, v3  }
0x5e: {  	v1 =	vand.u32 $0x7F, v1;
	v2 =	vadd.s32 v2, v3;
	v3 =	vmov s20  }
0x5f: {  	v1 =	vor.u32 v1, v2;
	vm1 =	vgt.u32 v3, v0  }
0x60: {  	v2 =	vnsel vm1, $0x7FFFFFFF, v1;
	v3 =	vor.u32 $0x80, v1;
	v4 =	vor.u32 $0x100, v1  }
0x61: {  	v1 =	vor.u32 $0x180, v1;
	_ =	sdelay $0x1  }
0x62: {  	v3 =	vnsel vm1, $0x7FFFFFFF, v3  }
0x63: {  	s20 =	sadd.s32 s17, s16;
	s17 =	smov.u32 s21;
	(ifvalue) =	ssetifvalue $0x7FFFFFFF  }
0x64: {  	[tilespmem:s20], [sflag:$0x1] =	stream.indirect_vreg.gather [hbm4b:s2+s10], $0x1, v2, vm0, $0x4038;
	[tilespmem:$0x500] =	vst v63  }
0x65: {  	v2 =	vnsel vm1, $0x7FFFFFFF, v4;
	(ifvalue) =	ssetifvalue $0x7FFFFFFF  }
0x66: {  	s21 =	sadd.s32 $0x80, s20;
	(ifvalue) =	ssetifvalue $0x7FFFFFFF  }
0x67: {  	[tilespmem:s21], [sflag:$0x1] =	stream.indirect_vreg.gather [hbm4b:s2+s10], $0x1, v3, vm0, $0x4038;
	[tilespmem:$0x500] =	vst v63  }
.Ltmp3:
0x68: {  	v1 =	vnsel vm1, $0x7FFFFFFF, v1;
	(ifvalue) =	ssetifvalue $0x7FFFFFFF;
	(pc) =	sbr.rel @p1 .LBB2_3-.Ltmp3, $4  }
0x69: {  	s21 =	sadd.s32 $0x100, s20;
	(ifvalue) =	ssetifvalue $0x7FFFFFFF  }
0x6a: {  	[tilespmem:s21], [sflag:$0x1] =	stream.indirect_vreg.gather [hbm4b:s2+s10], $0x1, v2, vm0, $0x4038;
	[tilespmem:$0x500] =	vst v63  }
0x6b: {  	s18 =	sadd.s32 $0xFFFFFFF0, s18;
	(ifvalue) =	ssetifvalue $0x7FFFFFFF  }
0x6c: {  	s21 =	sadd.s32 $0x180, s20;
	s20 =	smov.u32 s19;
	(ifvalue) =	ssetifvalue $0x7FFFFFFF  }
.Ltmp4:
0x6d: {  	_ = 	snop;
	(pc) =	sbr.rel .LBB2_4-.Ltmp4, $1  }
0x6e: {  	_ =	sdelay $0x3  }
.LBB2_6:
0x6f: {  	_ =	sfence.sel $0x180000  }
0x70: {  	s2 =	simm.s32 $0x2;
	[bflag:$0x0] =	sbarrier.arrive $0xFFFF  }
0x71: {  	s30 =	simm.s32 $0x3;
	[sflag:s2] =	ssyncpa.u1 $0x1  }
0x72: {  	s31 =	simm.s32 $0x1;
	[sflag:s30] =	ssyncpa.u1 $0x1  }
0x73: {  	[sflag:s31] =	ssyncpa.u1 $0x1  }
0x74: {  	p0 =	sne.s32 s0, $0x0;
	_ =	strace $0x90000047  }
0x75: {  	s0 =	sadd.s32 @!p0 $0x100000, s1;
	[bflag:$0x2] =	sbarrier.arrive $0xFFFF  }
0x76: {  	[sflag:s0] =	ssyncadd.tile.s32 @!p0 $0x1;
	_ =	shalt  }
.Lfunc_end2:
_tile_overlayer_lowered:
.L_overlay_start_2:
0x77: {  	(tag) =	ssettag $0x2  }
0x78: {  	s0 =	rddreg [dreg:$0x0];
	s2 =	stileid.u32  }
0x79: {  	s1 =	rddreg [dreg:$0x1];
	p0 =	sne.s32 s2, $0x0  }
0x7a: {  	s3 =	rddreg [dreg:$0x2];
	[bflag:$0x3] =	sbarrier.arrive $0xFFFF;
	s2 =	simm.s32 @!p0 $0x1C01  }
0x7b: {  	[timem:s3], [sflag:s2] =	dma.local @!p0 [hbm:s0], s1  }
0x7c: {  	s0 =	simm.s32 @!p0 $0x1  }
0x7d: {  	_ =	swait.ge @!p0 [sflag:s0], s1  }
0x7e: {  	s1 =	ssub.s32 @!p0 $0x0, s1;
	[sflag:s0] =	ssyncset.done @!p0 $0x0  }
0x7f: {  	[sflag:s0] =	ssyncadd.s32 @!p0 s1  }
0x80: {  	[bflag:$0x3] =	sbarrier.arrive $0xFFFF  }
0x81: {  	_ =	shalt  }

</sc_bundles>
